<compile_context>
chip_gen: v7x
topology: tpu7x:2x2x1
jax: 0.10.2.dev20260603
libtpu: 0.0.44.dev20260713+nightly
codegen_flags: <defaults>
</compile_context>

<pallas_src>
import functools

import jax
import jax.numpy as jnp
from jax import lax
from jax.experimental import pallas as pl
from jax.experimental.pallas import tpu as pltpu
from jax.experimental.pallas import tpu_sc as plsc

_D = 128
_T = 128
_NC = 2
_NS = 16
_NW = _NC * _NS
_CH = 128


@functools.partial(jax.jit, static_argnums=0)
def _gather(B, idx2d, tbl):
    n_ch = B // (_NW * _CH)

    def body(idx_hbm, table_hbm, out_hbm, idx_v, table_v, rows_v, zrow_v, gsem, osem):
        wid = lax.axis_index("s") * _NC + lax.axis_index("c")
        row0 = wid * n_ch

        @pl.when(lax.axis_index("s") == 0)
        def _():
            pltpu.sync_copy(table_hbm, table_v)
            for j in range(_D // 16):
                zrow_v[0, pl.ds(j * 16, 16)] = jnp.zeros((16,), jnp.float32)
            pltpu.sync_copy(zrow_v, table_v.at[pl.ds(0, 1), :])

        pltpu.sync_copy(idx_hbm.at[pl.ds(row0, n_ch), :], idx_v)
        plsc.subcore_barrier()

        def gcopy(g, b):
            return pltpu.make_async_copy(
                table_v.at[idx_v.at[g]], rows_v.at[b], gsem
            )

        def ocopy(g, b):
            return pltpu.make_async_copy(
                rows_v.at[b],
                out_hbm.at[pl.ds((row0 + g) * _CH, _CH), :],
                osem,
            )

        for g0 in range(3):
            gcopy(g0, g0).start()

        def chunk(g, carry):
            b = lax.rem(g, 6)
            gcopy(g, b).wait()
            ocopy(g, b).start()
            @pl.when(g >= 3)
            def _():
                ocopy(g - 3, lax.rem(g - 3, 6)).wait()

            gcopy(jnp.minimum(g + 3, n_ch - 1), lax.rem(g + 3, 6)).start()
            return carry

        lax.fori_loop(0, n_ch, chunk, 0)
        for _ in range(3):
            gcopy(n_ch - 1, 0).wait()
        for k in (3, 2, 1):
            g = n_ch - k
            ocopy(g, g % 6).wait()

    mesh = plsc.VectorSubcoreMesh(core_axis_name="c", subcore_axis_name="s")
    f = pl.kernel(
        body,
        out_type=jax.ShapeDtypeStruct((B, _D), jnp.float32),
        mesh=mesh,
        scratch_types=[
            pltpu.VMEM((n_ch, _CH), jnp.int32),
            pltpu.VMEM_SHARED((_T, _D), jnp.float32),
            pltpu.VMEM((6, _CH, _D), jnp.float32),
            pltpu.VMEM((1, _D), jnp.float32),
            pltpu.SemaphoreType.DMA,
            pltpu.SemaphoreType.DMA,
        ],
    )
    return f(idx2d, tbl)


def kernel(Z, table):
    n, m = Z.shape
    B = n * m
    idx2d = Z.reshape(B // _CH, _CH).astype(jnp.int32)
    out = _gather(B, idx2d, table)
    return out.reshape(n, m, _D)

# --- scband reference (transcript-rebuilt; emitter-appended) ---
"""Pipeline reference for scband-atom-type-embedding-15917148799182 (READ-ONLY COPY).

The authoritative reference and input builder live on the scoring server;
editing this copy changes nothing except your own understanding.
"""

import jax, jax.numpy as jnp
import numpy as np

NUM_TYPES = 128
HIDDEN_DIM = 128
PADDING_IDX = 0


def setup_inputs(seed: int = 0) -> dict:
    key = jax.random.key(seed)
    k1, k2 = jax.random.split(key)
    Z = jax.random.randint(k1, (1024, 512), 0, NUM_TYPES, dtype=jnp.int64)
    table = jax.random.normal(k2, (NUM_TYPES, HIDDEN_DIM), dtype=jnp.float32)
    # padding_idx row is zero-initialized in nn.Embedding
    table = table.at[PADDING_IDX].set(0.0)
    return {"Z": Z, "table": table}


def reference(Z, table):
    # nn.Embedding with padding_idx: row PADDING_IDX acts as zeros
    t = table.at[PADDING_IDX].set(0.0)
    h = jnp.take(t, Z, axis=0)  # [1024, 512, HIDDEN_DIM]
    return h

if __name__ == "__main__":
    import jax
    _d = setup_inputs()
    print(jax.jit(kernel)(*tuple(_d.values())))

</pallas_src>

<mosaic_0001>
#map = affine_map<(d0, d1) -> (0, 0)>
module attributes {stable_mosaic.version = 14 : i64} {
  func.func @body(%arg0: i32, %arg1: i32, %arg2: memref<4096x128xi32, #tpu.memory_space<hbm>>, %arg3: memref<128x128xf32, #tpu.memory_space<hbm>>, %arg4: memref<524288x128xf32, #tpu.memory_space<hbm>>, %arg5: memref<128x128xi32, #tpu.memory_space<vmem>>, %arg6: memref<128x128xf32, #tpu.memory_space<vmem_shared>>, %arg7: memref<6x128x128xf32, #tpu.memory_space<vmem>>, %arg8: memref<1x128xf32, #tpu.memory_space<vmem>>, %arg9: memref<!tpu.dma_semaphore, #tpu.memory_space<semaphore_mem>>, %arg10: memref<!tpu.dma_semaphore, #tpu.memory_space<semaphore_mem>>) attributes {dimension_semantics = [#tpu.dimension_semantics<core_parallel>, #tpu.dimension_semantics<subcore_parallel>], iteration_bounds = array<i64: 2, 16>, scalar_prefetch = 0 : i64, scratch_operands = 6 : i64, tpu.core_type = #tpu.core_type<sc_vector_subcore>, window_params = [{transform_indices = #map}, {transform_indices = #map}, {transform_indices = #map}]} {
    %mul3A = arith.constant 2 : i32
    %mul3A_0 = arith.muli %arg1, %mul3A : i32
    %add3A = arith.addi %mul3A_0, %arg0 : i32
    %mul3A_1 = arith.constant 128 : i32
    %mul3A_2 = arith.muli %add3A, %mul3A_1 : i32
    %eq3A = arith.constant 0 : i32
    %eq3A_3 = arith.cmpi eq, %arg1, %eq3A : i32
    %convert_element_type3A = arith.extui %eq3A_3 : i1 to i32
    %cond3A = arith.constant 0 : i32
    %cond3A_4 = arith.cmpi ne, %convert_element_type3A, %cond3A : i32
    scf.if %cond3A_4 {
      "tpu.region"() ({
        %run_scoped3A = tpu.sem_alloc : memref<!tpu.dma_semaphore, #tpu.memory_space<semaphore_mem>>
        tpu.enqueue_dma source(%arg3 : memref<128x128xf32, #tpu.memory_space<hbm>>) target(%arg6 : memref<128x128xf32, #tpu.memory_space<vmem_shared>>) target_semaphore(%run_scoped3A : memref<!tpu.dma_semaphore, #tpu.memory_space<semaphore_mem>>)
        tpu.wait_dma2 semaphore(%run_scoped3A : memref<!tpu.dma_semaphore, #tpu.memory_space<semaphore_mem>>) src(%arg3 : memref<128x128xf32, #tpu.memory_space<hbm>>) dst(%arg6 : memref<128x128xf32, #tpu.memory_space<vmem_shared>>)
        tpu.yield
      }) : () -> ()
      %broadcast_in_dim3A = arith.constant 0.000000e+00 : f32
      %broadcast_in_dim3A_131 = vector.broadcast %broadcast_in_dim3A : f32 to vector<16xf32>
      %swap3A = arith.constant 0 : i32
      %swap3A_132 = arith.index_cast %swap3A : i32 to index
      %swap3A_133 = arith.constant 0 : index
      %swap3A_134 = tpu.vector_load %arg8[%swap3A_132, %swap3A_133] {strides = array<i32>} : memref<1x128xf32, #tpu.memory_space<vmem>>, vector<1x16xf32>,
      %swap3A_135 = vector.shape_cast %swap3A_134 : vector<1x16xf32> to vector<16xf32>
      %swap3A_136 = vector.shape_cast %broadcast_in_dim3A_131 : vector<16xf32> to vector<1x16xf32>
      tpu.vector_store %arg8[%swap3A_132, %swap3A_133], %swap3A_136 {strides = array<i32>} : memref<1x128xf32, #tpu.memory_space<vmem>>, vector<1x16xf32>,
      %broadcast_in_dim3A_137 = arith.constant 0.000000e+00 : f32
      %broadcast_in_dim3A_138 = vector.broadcast %broadcast_in_dim3A_137 : f32 to vector<16xf32>
      %swap3A_139 = arith.constant 0 : i32
      %swap3A_140 = arith.index_cast %swap3A_139 : i32 to index
      %swap3A_141 = arith.constant 16 : index
      %swap3A_142 = tpu.vector_load %arg8[%swap3A_140, %swap3A_141] {strides = array<i32>} : memref<1x128xf32, #tpu.memory_space<vmem>>, vector<1x16xf32>,
      %swap3A_143 = vector.shape_cast %swap3A_142 : vector<1x16xf32> to vector<16xf32>
      %swap3A_144 = vector.shape_cast %broadcast_in_dim3A_138 : vector<16xf32> to vector<1x16xf32>
      tpu.vector_store %arg8[%swap3A_140, %swap3A_141], %swap3A_144 {strides = array<i32>} : memref<1x128xf32, #tpu.memory_space<vmem>>, vector<1x16xf32>,
      %broadcast_in_dim3A_145 = arith.constant 0.000000e+00 : f32
      %broadcast_in_dim3A_146 = vector.broadcast %broadcast_in_dim3A_145 : f32 to vector<16xf32>
      %swap3A_147 = arith.constant 0 : i32
      %swap3A_148 = arith.index_cast %swap3A_147 : i32 to index
      %swap3A_149 = arith.constant 32 : index
      %swap3A_150 = tpu.vector_load %arg8[%swap3A_148, %swap3A_149] {strides = array<i32>} : memref<1x128xf32, #tpu.memory_space<vmem>>, vector<1x16xf32>,
      %swap3A_151 = vector.shape_cast %swap3A_150 : vector<1x16xf32> to vector<16xf32>
      %swap3A_152 = vector.shape_cast %broadcast_in_dim3A_146 : vector<16xf32> to vector<1x16xf32>
      tpu.vector_store %arg8[%swap3A_148, %swap3A_149], %swap3A_152 {strides = array<i32>} : memref<1x128xf32, #tpu.memory_space<vmem>>, vector<1x16xf32>,
      %broadcast_in_dim3A_153 = arith.constant 0.000000e+00 : f32
      %broadcast_in_dim3A_154 = vector.broadcast %broadcast_in_dim3A_153 : f32 to vector<16xf32>
      %swap3A_155 = arith.constant 0 : i32
      %swap3A_156 = arith.index_cast %swap3A_155 : i32 to index
      %swap3A_157 = arith.constant 48 : index
      %swap3A_158 = tpu.vector_load %arg8[%swap3A_156, %swap3A_157] {strides = array<i32>} : memref<1x128xf32, #tpu.memory_space<vmem>>, vector<1x16xf32>,
      %swap3A_159 = vector.shape_cast %swap3A_158 : vector<1x16xf32> to vector<16xf32>
      %swap3A_160 = vector.shape_cast %broadcast_in_dim3A_154 : vector<16xf32> to vector<1x16xf32>
      tpu.vector_store %arg8[%swap3A_156, %swap3A_157], %swap3A_160 {strides = array<i32>} : memref<1x128xf32, #tpu.memory_space<vmem>>, vector<1x16xf32>,
      %broadcast_in_dim3A_161 = arith.constant 0.000000e+00 : f32
      %broadcast_in_dim3A_162 = vector.broadcast %broadcast_in_dim3A_161 : f32 to vector<16xf32>
      %swap3A_163 = arith.constant 0 : i32
      %swap3A_164 = arith.index_cast %swap3A_163 : i32 to index
      %swap3A_165 = arith.constant 64 : index
      %swap3A_166 = tpu.vector_load %arg8[%swap3A_164, %swap3A_165] {strides = array<i32>} : memref<1x128xf32, #tpu.memory_space<vmem>>, vector<1x16xf32>,
      %swap3A_167 = vector.shape_cast %swap3A_166 : vector<1x16xf32> to vector<16xf32>
      %swap3A_168 = vector.shape_cast %broadcast_in_dim3A_162 : vector<16xf32> to vector<1x16xf32>
      tpu.vector_store %arg8[%swap3A_164, %swap3A_165], %swap3A_168 {strides = array<i32>} : memref<1x128xf32, #tpu.memory_space<vmem>>, vector<1x16xf32>,
      %broadcast_in_dim3A_169 = arith.constant 0.000000e+00 : f32
      %broadcast_in_dim3A_170 = vector.broadcast %broadcast_in_dim3A_169 : f32 to vector<16xf32>
      %swap3A_171 = arith.constant 0 : i32
      %swap3A_172 = arith.index_cast %swap3A_171 : i32 to index
      %swap3A_173 = arith.constant 80 : index
      %swap3A_174 = tpu.vector_load %arg8[%swap3A_172, %swap3A_173] {strides = array<i32>} : memref<1x128xf32, #tpu.memory_space<vmem>>, vector<1x16xf32>,
      %swap3A_175 = vector.shape_cast %swap3A_174 : vector<1x16xf32> to vector<16xf32>
      %swap3A_176 = vector.shape_cast %broadcast_in_dim3A_170 : vector<16xf32> to vector<1x16xf32>
      tpu.vector_store %arg8[%swap3A_172, %swap3A_173], %swap3A_176 {strides = array<i32>} : memref<1x128xf32, #tpu.memory_space<vmem>>, vector<1x16xf32>,
      %broadcast_in_dim3A_177 = arith.constant 0.000000e+00 : f32
      %broadcast_in_dim3A_178 = vector.broadcast %broadcast_in_dim3A_177 : f32 to vector<16xf32>
      %swap3A_179 = arith.constant 0 : i32
      %swap3A_180 = arith.index_cast %swap3A_179 : i32 to index
      %swap3A_181 = arith.constant 96 : index
      %swap3A_182 = tpu.vector_load %arg8[%swap3A_180, %swap3A_181] {strides = array<i32>} : memref<1x128xf32, #tpu.memory_space<vmem>>, vector<1x16xf32>,
      %swap3A_183 = vector.shape_cast %swap3A_182 : vector<1x16xf32> to vector<16xf32>
      %swap3A_184 = vector.shape_cast %broadcast_in_dim3A_178 : vector<16xf32> to vector<1x16xf32>
      tpu.vector_store %arg8[%swap3A_180, %swap3A_181], %swap3A_184 {strides = array<i32>} : memref<1x128xf32, #tpu.memory_space<vmem>>, vector<1x16xf32>,
      %broadcast_in_dim3A_185 = arith.constant 0.000000e+00 : f32
      %broadcast_in_dim3A_186 = vector.broadcast %broadcast_in_dim3A_185 : f32 to vector<16xf32>
      %swap3A_187 = arith.constant 0 : i32
      %swap3A_188 = arith.index_cast %swap3A_187 : i32 to index
      %swap3A_189 = arith.constant 112 : index
      %swap3A_190 = tpu.vector_load %arg8[%swap3A_188, %swap3A_189] {strides = array<i32>} : memref<1x128xf32, #tpu.memory_space<vmem>>, vector<1x16xf32>,
      %swap3A_191 = vector.shape_cast %swap3A_190 : vector<1x16xf32> to vector<16xf32>
      %swap3A_192 = vector.shape_cast %broadcast_in_dim3A_186 : vector<16xf32> to vector<1x16xf32>
      tpu.vector_store %arg8[%swap3A_188, %swap3A_189], %swap3A_192 {strides = array<i32>} : memref<1x128xf32, #tpu.memory_space<vmem>>, vector<1x16xf32>,
      "tpu.region"() ({
        %run_scoped3A = tpu.sem_alloc : memref<!tpu.dma_semaphore, #tpu.memory_space<semaphore_mem>>
        %dma_start3A_193 = arith.constant 0 : i32
        %dma_start3A_194 = arith.constant 0 : i32
        %dma_start3A_195 = tpu.memref_slice %arg6[%dma_start3A_193, %dma_start3A_194] : memref<128x128xf32, #tpu.memory_space<vmem_shared>> -> memref<1x128xf32, #tpu.memory_space<vmem_shared>>
        %dma_start3A_196 = arith.constant 0 : i32
        %dma_start3A_197 = arith.constant 0 : i32
        %dma_start3A_198 = tpu.memref_slice %arg6[%dma_start3A_196, %dma_start3A_197] : memref<128x128xf32, #tpu.memory_space<vmem_shared>> -> memref<1x128xf32, #tpu.memory_space<vmem_shared>>
        tpu.enqueue_dma source(%arg8 : memref<1x128xf32, #tpu.memory_space<vmem>>) target(%dma_start3A_198 : memref<1x128xf32, #tpu.memory_space<vmem_shared>>) target_semaphore(%run_scoped3A : memref<!tpu.dma_semaphore, #tpu.memory_space<semaphore_mem>>)
        %dma_wait3A_199 = arith.constant 0 : i32
        %dma_wait3A_200 = arith.constant 0 : i32
        %dma_wait3A_201 = tpu.memref_slice %arg6[%dma_wait3A_199, %dma_wait3A_200] : memref<128x128xf32, #tpu.memory_space<vmem_shared>> -> memref<1x128xf32, #tpu.memory_space<vmem_shared>>
        %dma_wait3A_202 = arith.constant 0 : i32
        %dma_wait3A_203 = arith.constant 0 : i32
        %dma_wait3A_204 = tpu.memref_slice %arg6[%dma_wait3A_202, %dma_wait3A_203] : memref<128x128xf32, #tpu.memory_space<vmem_shared>> -> memref<1x128xf32, #tpu.memory_space<vmem_shared>>
        tpu.wait_dma2 semaphore(%run_scoped3A : memref<!tpu.dma_semaphore, #tpu.memory_space<semaphore_mem>>) src(%arg8 : memref<1x128xf32, #tpu.memory_space<vmem>>) dst(%dma_wait3A_204 : memref<1x128xf32, #tpu.memory_space<vmem_shared>>)
        tpu.yield
      }) : () -> ()
    } else {
    }
    "tpu.region"() ({
      %run_scoped3A = tpu.sem_alloc : memref<!tpu.dma_semaphore, #tpu.memory_space<semaphore_mem>>
      %dma_start3A_131 = arith.constant 0 : i32
      %dma_start3A_132 = tpu.memref_slice %arg2[%mul3A_2, %dma_start3A_131] : memref<4096x128xi32, #tpu.memory_space<hbm>> -> memref<128x128xi32, #tpu.memory_space<hbm>>
      %dma_start3A_133 = arith.constant 0 : i32
      %dma_start3A_134 = tpu.memref_slice %arg2[%mul3A_2, %dma_start3A_133] : memref<4096x128xi32, #tpu.memory_space<hbm>> -> memref<128x128xi32, #tpu.memory_space<hbm>>
      tpu.enqueue_dma source(%dma_start3A_134 : memref<128x128xi32, #tpu.memory_space<hbm>>) target(%arg5 : memref<128x128xi32, #tpu.memory_space<vmem>>) target_semaphore(%run_scoped3A : memref<!tpu.dma_semaphore, #tpu.memory_space<semaphore_mem>>)
      %dma_wait3A_135 = arith.constant 0 : i32
      %dma_wait3A_136 = tpu.memref_slice %arg2[%mul3A_2, %dma_wait3A_135] : memref<4096x128xi32, #tpu.memory_space<hbm>> -> memref<128x128xi32, #tpu.memory_space<hbm>>
      %dma_wait3A_137 = arith.constant 0 : i32
      %dma_wait3A_138 = tpu.memref_slice %arg2[%mul3A_2, %dma_wait3A_137] : memref<4096x128xi32, #tpu.memory_space<hbm>> -> memref<128x128xi32, #tpu.memory_space<hbm>>
      tpu.wait_dma2 semaphore(%run_scoped3A : memref<!tpu.dma_semaphore, #tpu.memory_space<semaphore_mem>>) src(%dma_wait3A_138 : memref<128x128xi32, #tpu.memory_space<hbm>>) dst(%arg5 : memref<128x128xi32, #tpu.memory_space<vmem>>)
      tpu.yield
    }) : () -> ()
    %barrier3A = arith.constant 0 : index
    tpu.barrier barrier_id(%barrier3A)
    %dma_start3A = arith.constant 0 : i32
    %dma_start3A_5 = arith.constant 0 : i32
    %dma_start3A_6 = arith.constant 0 : i32
    %dma_start3A_7 = arith.constant 0 : i32
    %dma_start3A_8 = tpu.memref_slice %arg7[%dma_start3A_5, %dma_start3A_6, %dma_start3A_7] : memref<6x128x128xf32, #tpu.memory_space<vmem>> -> memref<1x128x128xf32, #tpu.memory_space<vmem>>
    %dma_start3A_9 = tpu.memref_squeeze %dma_start3A_8 : memref<1x128x128xf32, #tpu.memory_space<vmem>> -> memref<128x128xf32, #tpu.memory_space<vmem>>
    %dma_start3A_10 = arith.constant 0 : i32
    %dma_start3A_11 = tpu.memref_slice %arg5[%dma_start3A, %dma_start3A_10] : memref<128x128xi32, #tpu.memory_space<vmem>> -> memref<1x128xi32, #tpu.memory_space<vmem>>
    %dma_start3A_12 = tpu.memref_squeeze %dma_start3A_11 : memref<1x128xi32, #tpu.memory_space<vmem>> -> memref<128xi32, #tpu.memory_space<vmem>>
    %dma_start3A_13 = arith.constant 0 : i32
    %dma_start3A_14 = arith.constant 0 : i32
    %dma_start3A_15 = tpu.memref_slice %arg6[%dma_start3A_13, %dma_start3A_14] : memref<128x128xf32, #tpu.memory_space<vmem_shared>> -> memref<128x128xf32, #tpu.memory_space<vmem_shared>>
    tpu.enqueue_indirect_dma source(%dma_start3A_15 : memref<128x128xf32, #tpu.memory_space<vmem_shared>>) target(%dma_start3A_9 : memref<128x128xf32, #tpu.memory_space<vmem>>) offsets(%dma_start3A_12 : memref<128xi32, #tpu.memory_space<vmem>>) semaphore(%arg9 : memref<!tpu.dma_semaphore, #tpu.memory_space<semaphore_mem>>)
    %dma_start3A_16 = arith.constant 1 : i32
    %dma_start3A_17 = arith.constant 1 : i32
    %dma_start3A_18 = arith.constant 0 : i32
    %dma_start3A_19 = arith.constant 0 : i32
    %dma_start3A_20 = tpu.memref_slice %arg7[%dma_start3A_17, %dma_start3A_18, %dma_start3A_19] : memref<6x128x128xf32, #tpu.memory_space<vmem>> -> memref<1x128x128xf32, #tpu.memory_space<vmem>>
    %dma_start3A_21 = tpu.memref_squeeze %dma_start3A_20 : memref<1x128x128xf32, #tpu.memory_space<vmem>> -> memref<128x128xf32, #tpu.memory_space<vmem>>
    %dma_start3A_22 = arith.constant 0 : i32
    %dma_start3A_23 = tpu.memref_slice %arg5[%dma_start3A_16, %dma_start3A_22] : memref<128x128xi32, #tpu.memory_space<vmem>> -> memref<1x128xi32, #tpu.memory_space<vmem>>
    %dma_start3A_24 = tpu.memref_squeeze %dma_start3A_23 : memref<1x128xi32, #tpu.memory_space<vmem>> -> memref<128xi32, #tpu.memory_space<vmem>>
    %dma_start3A_25 = arith.constant 0 : i32
    %dma_start3A_26 = arith.constant 0 : i32
    %dma_start3A_27 = tpu.memref_slice %arg6[%dma_start3A_25, %dma_start3A_26] : memref<128x128xf32, #tpu.memory_space<vmem_shared>> -> memref<128x128xf32, #tpu.memory_space<vmem_shared>>
    tpu.enqueue_indirect_dma source(%dma_start3A_27 : memref<128x128xf32, #tpu.memory_space<vmem_shared>>) target(%dma_start3A_21 : memref<128x128xf32, #tpu.memory_space<vmem>>) offsets(%dma_start3A_24 : memref<128xi32, #tpu.memory_space<vmem>>) semaphore(%arg9 : memref<!tpu.dma_semaphore, #tpu.memory_space<semaphore_mem>>)
    %dma_start3A_28 = arith.constant 2 : i32
    %dma_start3A_29 = arith.constant 2 : i32
    %dma_start3A_30 = arith.constant 0 : i32
    %dma_start3A_31 = arith.constant 0 : i32
    %dma_start3A_32 = tpu.memref_slice %arg7[%dma_start3A_29, %dma_start3A_30, %dma_start3A_31] : memref<6x128x128xf32, #tpu.memory_space<vmem>> -> memref<1x128x128xf32, #tpu.memory_space<vmem>>
    %dma_start3A_33 = tpu.memref_squeeze %dma_start3A_32 : memref<1x128x128xf32, #tpu.memory_space<vmem>> -> memref<128x128xf32, #tpu.memory_space<vmem>>
    %dma_start3A_34 = arith.constant 0 : i32
    %dma_start3A_35 = tpu.memref_slice %arg5[%dma_start3A_28, %dma_start3A_34] : memref<128x128xi32, #tpu.memory_space<vmem>> -> memref<1x128xi32, #tpu.memory_space<vmem>>
    %dma_start3A_36 = tpu.memref_squeeze %dma_start3A_35 : memref<1x128xi32, #tpu.memory_space<vmem>> -> memref<128xi32, #tpu.memory_space<vmem>>
    %dma_start3A_37 = arith.constant 0 : i32
    %dma_start3A_38 = arith.constant 0 : i32
    %dma_start3A_39 = tpu.memref_slice %arg6[%dma_start3A_37, %dma_start3A_38] : memref<128x128xf32, #tpu.memory_space<vmem_shared>> -> memref<128x128xf32, #tpu.memory_space<vmem_shared>>
    tpu.enqueue_indirect_dma source(%dma_start3A_39 : memref<128x128xf32, #tpu.memory_space<vmem_shared>>) target(%dma_start3A_33 : memref<128x128xf32, #tpu.memory_space<vmem>>) offsets(%dma_start3A_36 : memref<128xi32, #tpu.memory_space<vmem>>) semaphore(%arg9 : memref<!tpu.dma_semaphore, #tpu.memory_space<semaphore_mem>>)
    %scan3A = arith.constant 0 : i32
    %scan3A_40 = arith.constant 0 : i32
    %scan3A_41 = arith.constant 128 : i32
    %scan3A_42 = arith.addi %scan3A_40, %scan3A_41 : i32
    %scan3A_43 = arith.constant 1 : i32
    scf.for %scan3A_131 = %scan3A_40 to %scan3A_42 step %scan3A_43  : i32 {
      %rem3A = arith.constant 6 : i32
      %rem3A_132 = arith.remsi %scan3A_131, %rem3A : i32
      %dma_wait3A_133 = arith.constant 0 : i32
      %dma_wait3A_134 = arith.constant 0 : i32
      %dma_wait3A_135 = tpu.memref_slice %arg7[%rem3A_132, %dma_wait3A_133, %dma_wait3A_134] : memref<6x128x128xf32, #tpu.memory_space<vmem>> -> memref<1x128x128xf32, #tpu.memory_space<vmem>>
      %dma_wait3A_136 = tpu.memref_squeeze %dma_wait3A_135 : memref<1x128x128xf32, #tpu.memory_space<vmem>> -> memref<128x128xf32, #tpu.memory_space<vmem>>
      %dma_wait3A_137 = arith.constant 0 : i32
      %dma_wait3A_138 = tpu.memref_slice %arg5[%scan3A_131, %dma_wait3A_137] : memref<128x128xi32, #tpu.memory_space<vmem>> -> memref<1x128xi32, #tpu.memory_space<vmem>>
      %dma_wait3A_139 = tpu.memref_squeeze %dma_wait3A_138 : memref<1x128xi32, #tpu.memory_space<vmem>> -> memref<128xi32, #tpu.memory_space<vmem>>
      %dma_wait3A_140 = arith.constant 0 : i32
      %dma_wait3A_141 = arith.constant 0 : i32
      %dma_wait3A_142 = tpu.memref_slice %arg6[%dma_wait3A_140, %dma_wait3A_141] : memref<128x128xf32, #tpu.memory_space<vmem_shared>> -> memref<128x128xf32, #tpu.memory_space<vmem_shared>>
      tpu.wait_indirect_dma semaphore(%arg9 : memref<!tpu.dma_semaphore, #tpu.memory_space<semaphore_mem>>) src(%dma_wait3A_142 : memref<128x128xf32, #tpu.memory_space<vmem_shared>>) dst(%dma_wait3A_136 : memref<128x128xf32, #tpu.memory_space<vmem>>)
      %add3A_143 = arith.addi %mul3A_2, %scan3A_131 : i32
      %mul3A_144 = arith.constant 128 : i32
      %mul3A_145 = arith.muli %add3A_143, %mul3A_144 : i32
      %dma_start3A_146 = arith.constant 0 : i32
      %dma_start3A_147 = arith.constant 0 : i32
      %dma_start3A_148 = tpu.memref_slice %arg7[%rem3A_132, %dma_start3A_146, %dma_start3A_147] : memref<6x128x128xf32, #tpu.memory_space<vmem>> -> memref<1x128x128xf32, #tpu.memory_space<vmem>>
      %dma_start3A_149 = tpu.memref_squeeze %dma_start3A_148 : memref<1x128x128xf32, #tpu.memory_space<vmem>> -> memref<128x128xf32, #tpu.memory_space<vmem>>
      %dma_start3A_150 = arith.constant 0 : i32
      %dma_start3A_151 = tpu.memref_slice %arg4[%mul3A_145, %dma_start3A_150] : memref<524288x128xf32, #tpu.memory_space<hbm>> -> memref<128x128xf32, #tpu.memory_space<hbm>>
      %dma_start3A_152 = arith.constant 0 : i32
      %dma_start3A_153 = tpu.memref_slice %arg4[%mul3A_145, %dma_start3A_152] : memref<524288x128xf32, #tpu.memory_space<hbm>> -> memref<128x128xf32, #tpu.memory_space<hbm>>
      %dma_start3A_154 = arith.constant 0 : i32
      %dma_start3A_155 = arith.constant 0 : i32
      %dma_start3A_156 = tpu.memref_slice %arg7[%rem3A_132, %dma_start3A_154, %dma_start3A_155] : memref<6x128x128xf32, #tpu.memory_space<vmem>> -> memref<1x128x128xf32, #tpu.memory_space<vmem>>
      %dma_start3A_157 = tpu.memref_squeeze %dma_start3A_156 : memref<1x128x128xf32, #tpu.memory_space<vmem>> -> memref<128x128xf32, #tpu.memory_space<vmem>>
      tpu.enqueue_dma source(%dma_start3A_157 : memref<128x128xf32, #tpu.memory_space<vmem>>) target(%dma_start3A_153 : memref<128x128xf32, #tpu.memory_space<hbm>>) target_semaphore(%arg10 : memref<!tpu.dma_semaphore, #tpu.memory_space<semaphore_mem>>)
      %ge3A = arith.constant 3 : i32
      %ge3A_158 = arith.cmpi sge, %scan3A_131, %ge3A : i32
      %convert_element_type3A_159 = arith.extui %ge3A_158 : i1 to i32
      %cond3A_160 = arith.constant 0 : i32
      %cond3A_161 = arith.cmpi ne, %convert_element_type3A_159, %cond3A_160 : i32
      scf.if %cond3A_161 {
        %sub3A = arith.constant 3 : i32
        %sub3A_179 = arith.subi %scan3A_131, %sub3A : i32
        %sub3A_180 = arith.constant 3 : i32
        %sub3A_181 = arith.subi %scan3A_131, %sub3A_180 : i32
        %rem3A_182 = arith.constant 6 : i32
        %rem3A_183 = arith.remsi %sub3A_181, %rem3A_182 : i32
        %add3A_184 = arith.addi %mul3A_2, %sub3A_179 : i32
        %mul3A_185 = arith.constant 128 : i32
        %mul3A_186 = arith.muli %add3A_184, %mul3A_185 : i32
        %dma_wait3A_187 = arith.constant 0 : i32
        %dma_wait3A_188 = arith.constant 0 : i32
        %dma_wait3A_189 = tpu.memref_slice %arg7[%rem3A_183, %dma_wait3A_187, %dma_wait3A_188] : memref<6x128x128xf32, #tpu.memory_space<vmem>> -> memref<1x128x128xf32, #tpu.memory_space<vmem>>
        %dma_wait3A_190 = tpu.memref_squeeze %dma_wait3A_189 : memref<1x128x128xf32, #tpu.memory_space<vmem>> -> memref<128x128xf32, #tpu.memory_space<vmem>>
        %dma_wait3A_191 = arith.constant 0 : i32
        %dma_wait3A_192 = tpu.memref_slice %arg4[%mul3A_186, %dma_wait3A_191] : memref<524288x128xf32, #tpu.memory_space<hbm>> -> memref<128x128xf32, #tpu.memory_space<hbm>>
        %dma_wait3A_193 = arith.constant 0 : i32
        %dma_wait3A_194 = tpu.memref_slice %arg4[%mul3A_186, %dma_wait3A_193] : memref<524288x128xf32, #tpu.memory_space<hbm>> -> memref<128x128xf32, #tpu.memory_space<hbm>>
        %dma_wait3A_195 = arith.constant 0 : i32
        %dma_wait3A_196 = arith.constant 0 : i32
        %dma_wait3A_197 = tpu.memref_slice %arg7[%rem3A_183, %dma_wait3A_195, %dma_wait3A_196] : memref<6x128x128xf32, #tpu.memory_space<vmem>> -> memref<1x128x128xf32, #tpu.memory_space<vmem>>
        %dma_wait3A_198 = tpu.memref_squeeze %dma_wait3A_197 : memref<1x128x128xf32, #tpu.memory_space<vmem>> -> memref<128x128xf32, #tpu.memory_space<vmem>>
        tpu.wait_dma2 semaphore(%arg10 : memref<!tpu.dma_semaphore, #tpu.memory_space<semaphore_mem>>) src(%dma_wait3A_198 : memref<128x128xf32, #tpu.memory_space<vmem>>) dst(%dma_wait3A_194 : memref<128x128xf32, #tpu.memory_space<hbm>>)
      } else {
      }
      %add3A_162 = arith.constant 3 : i32
      %add3A_163 = arith.addi %scan3A_131, %add3A_162 : i32
      %min3A = arith.constant 127 : i32
      %min3A_164 = arith.minsi %add3A_163, %min3A : i32
      %add3A_165 = arith.constant 3 : i32
      %add3A_166 = arith.addi %scan3A_131, %add3A_165 : i32
      %rem3A_167 = arith.constant 6 : i32
      %rem3A_168 = arith.remsi %add3A_166, %rem3A_167 : i32
      %dma_start3A_169 = arith.constant 0 : i32
      %dma_start3A_170 = arith.constant 0 : i32
      %dma_start3A_171 = tpu.memref_slice %arg7[%rem3A_168, %dma_start3A_169, %dma_start3A_170] : memref<6x128x128xf32, #tpu.memory_space<vmem>> -> memref<1x128x128xf32, #tpu.memory_space<vmem>>
      %dma_start3A_172 = tpu.memref_squeeze %dma_start3A_171 : memref<1x128x128xf32, #tpu.memory_space<vmem>> -> memref<128x128xf32, #tpu.memory_space<vmem>>
      %dma_start3A_173 = arith.constant 0 : i32
      %dma_start3A_174 = tpu.memref_slice %arg5[%min3A_164, %dma_start3A_173] : memref<128x128xi32, #tpu.memory_space<vmem>> -> memref<1x128xi32, #tpu.memory_space<vmem>>
      %dma_start3A_175 = tpu.memref_squeeze %dma_start3A_174 : memref<1x128xi32, #tpu.memory_space<vmem>> -> memref<128xi32, #tpu.memory_space<vmem>>
      %dma_start3A_176 = arith.constant 0 : i32
      %dma_start3A_177 = arith.constant 0 : i32
      %dma_start3A_178 = tpu.memref_slice %arg6[%dma_start3A_176, %dma_start3A_177] : memref<128x128xf32, #tpu.memory_space<vmem_shared>> -> memref<128x128xf32, #tpu.memory_space<vmem_shared>>
      tpu.enqueue_indirect_dma source(%dma_start3A_178 : memref<128x128xf32, #tpu.memory_space<vmem_shared>>) target(%dma_start3A_172 : memref<128x128xf32, #tpu.memory_space<vmem>>) offsets(%dma_start3A_175 : memref<128xi32, #tpu.memory_space<vmem>>) semaphore(%arg9 : memref<!tpu.dma_semaphore, #tpu.memory_space<semaphore_mem>>)
    }
    %scan3A_44 = arith.constant 128 : i32
    %dma_wait3A = arith.constant 127 : i32
    %dma_wait3A_45 = arith.constant 0 : i32
    %dma_wait3A_46 = arith.constant 0 : i32
    %dma_wait3A_47 = arith.constant 0 : i32
    %dma_wait3A_48 = tpu.memref_slice %arg7[%dma_wait3A_45, %dma_wait3A_46, %dma_wait3A_47] : memref<6x128x128xf32, #tpu.memory_space<vmem>> -> memref<1x128x128xf32, #tpu.memory_space<vmem>>
    %dma_wait3A_49 = tpu.memref_squeeze %dma_wait3A_48 : memref<1x128x128xf32, #tpu.memory_space<vmem>> -> memref<128x128xf32, #tpu.memory_space<vmem>>
    %dma_wait3A_50 = arith.constant 0 : i32
    %dma_wait3A_51 = tpu.memref_slice %arg5[%dma_wait3A, %dma_wait3A_50] : memref<128x128xi32, #tpu.memory_space<vmem>> -> memref<1x128xi32, #tpu.memory_space<vmem>>
    %dma_wait3A_52 = tpu.memref_squeeze %dma_wait3A_51 : memref<1x128xi32, #tpu.memory_space<vmem>> -> memref<128xi32, #tpu.memory_space<vmem>>
    %dma_wait3A_53 = arith.constant 0 : i32
    %dma_wait3A_54 = arith.constant 0 : i32
    %dma_wait3A_55 = tpu.memref_slice %arg6[%dma_wait3A_53, %dma_wait3A_54] : memref<128x128xf32, #tpu.memory_space<vmem_shared>> -> memref<128x128xf32, #tpu.memory_space<vmem_shared>>
    tpu.wait_indirect_dma semaphore(%arg9 : memref<!tpu.dma_semaphore, #tpu.memory_space<semaphore_mem>>) src(%dma_wait3A_55 : memref<128x128xf32, #tpu.memory_space<vmem_shared>>) dst(%dma_wait3A_49 : memref<128x128xf32, #tpu.memory_space<vmem>>)
    %dma_wait3A_56 = arith.constant 127 : i32
    %dma_wait3A_57 = arith.constant 0 : i32
    %dma_wait3A_58 = arith.constant 0 : i32
    %dma_wait3A_59 = arith.constant 0 : i32
    %dma_wait3A_60 = tpu.memref_slice %arg7[%dma_wait3A_57, %dma_wait3A_58, %dma_wait3A_59] : memref<6x128x128xf32, #tpu.memory_space<vmem>> -> memref<1x128x128xf32, #tpu.memory_space<vmem>>
    %dma_wait3A_61 = tpu.memref_squeeze %dma_wait3A_60 : memref<1x128x128xf32, #tpu.memory_space<vmem>> -> memref<128x128xf32, #tpu.memory_space<vmem>>
    %dma_wait3A_62 = arith.constant 0 : i32
    %dma_wait3A_63 = tpu.memref_slice %arg5[%dma_wait3A_56, %dma_wait3A_62] : memref<128x128xi32, #tpu.memory_space<vmem>> -> memref<1x128xi32, #tpu.memory_space<vmem>>
    %dma_wait3A_64 = tpu.memref_squeeze %dma_wait3A_63 : memref<1x128xi32, #tpu.memory_space<vmem>> -> memref<128xi32, #tpu.memory_space<vmem>>
    %dma_wait3A_65 = arith.constant 0 : i32
    %dma_wait3A_66 = arith.constant 0 : i32
    %dma_wait3A_67 = tpu.memref_slice %arg6[%dma_wait3A_65, %dma_wait3A_66] : memref<128x128xf32, #tpu.memory_space<vmem_shared>> -> memref<128x128xf32, #tpu.memory_space<vmem_shared>>
    tpu.wait_indirect_dma semaphore(%arg9 : memref<!tpu.dma_semaphore, #tpu.memory_space<semaphore_mem>>) src(%dma_wait3A_67 : memref<128x128xf32, #tpu.memory_space<vmem_shared>>) dst(%dma_wait3A_61 : memref<128x128xf32, #tpu.memory_space<vmem>>)
    %dma_wait3A_68 = arith.constant 127 : i32
    %dma_wait3A_69 = arith.constant 0 : i32
    %dma_wait3A_70 = arith.constant 0 : i32
    %dma_wait3A_71 = arith.constant 0 : i32
    %dma_wait3A_72 = tpu.memref_slice %arg7[%dma_wait3A_69, %dma_wait3A_70, %dma_wait3A_71] : memref<6x128x128xf32, #tpu.memory_space<vmem>> -> memref<1x128x128xf32, #tpu.memory_space<vmem>>
    %dma_wait3A_73 = tpu.memref_squeeze %dma_wait3A_72 : memref<1x128x128xf32, #tpu.memory_space<vmem>> -> memref<128x128xf32, #tpu.memory_space<vmem>>
    %dma_wait3A_74 = arith.constant 0 : i32
    %dma_wait3A_75 = tpu.memref_slice %arg5[%dma_wait3A_68, %dma_wait3A_74] : memref<128x128xi32, #tpu.memory_space<vmem>> -> memref<1x128xi32, #tpu.memory_space<vmem>>
    %dma_wait3A_76 = tpu.memref_squeeze %dma_wait3A_75 : memref<1x128xi32, #tpu.memory_space<vmem>> -> memref<128xi32, #tpu.memory_space<vmem>>
    %dma_wait3A_77 = arith.constant 0 : i32
    %dma_wait3A_78 = arith.constant 0 : i32
    %dma_wait3A_79 = tpu.memref_slice %arg6[%dma_wait3A_77, %dma_wait3A_78] : memref<128x128xf32, #tpu.memory_space<vmem_shared>> -> memref<128x128xf32, #tpu.memory_space<vmem_shared>>
    tpu.wait_indirect_dma semaphore(%arg9 : memref<!tpu.dma_semaphore, #tpu.memory_space<semaphore_mem>>) src(%dma_wait3A_79 : memref<128x128xf32, #tpu.memory_space<vmem_shared>>) dst(%dma_wait3A_73 : memref<128x128xf32, #tpu.memory_space<vmem>>)
    %add3A_80 = arith.constant 125 : i32
    %add3A_81 = arith.addi %mul3A_2, %add3A_80 : i32
    %mul3A_82 = arith.constant 128 : i32
    %mul3A_83 = arith.muli %add3A_81, %mul3A_82 : i32
    %dma_wait3A_84 = arith.constant 5 : i32
    %dma_wait3A_85 = arith.constant 0 : i32
    %dma_wait3A_86 = arith.constant 0 : i32
    %dma_wait3A_87 = tpu.memref_slice %arg7[%dma_wait3A_84, %dma_wait3A_85, %dma_wait3A_86] : memref<6x128x128xf32, #tpu.memory_space<vmem>> -> memref<1x128x128xf32, #tpu.memory_space<vmem>>
    %dma_wait3A_88 = tpu.memref_squeeze %dma_wait3A_87 : memref<1x128x128xf32, #tpu.memory_space<vmem>> -> memref<128x128xf32, #tpu.memory_space<vmem>>
    %dma_wait3A_89 = arith.constant 0 : i32
    %dma_wait3A_90 = tpu.memref_slice %arg4[%mul3A_83, %dma_wait3A_89] : memref<524288x128xf32, #tpu.memory_space<hbm>> -> memref<128x128xf32, #tpu.memory_space<hbm>>
    %dma_wait3A_91 = arith.constant 0 : i32
    %dma_wait3A_92 = tpu.memref_slice %arg4[%mul3A_83, %dma_wait3A_91] : memref<524288x128xf32, #tpu.memory_space<hbm>> -> memref<128x128xf32, #tpu.memory_space<hbm>>
    %dma_wait3A_93 = arith.constant 0 : i32
    %dma_wait3A_94 = arith.constant 0 : i32
    %dma_wait3A_95 = tpu.memref_slice %arg7[%dma_wait3A_84, %dma_wait3A_93, %dma_wait3A_94] : memref<6x128x128xf32, #tpu.memory_space<vmem>> -> memref<1x128x128xf32, #tpu.memory_space<vmem>>
    %dma_wait3A_96 = tpu.memref_squeeze %dma_wait3A_95 : memref<1x128x128xf32, #tpu.memory_space<vmem>> -> memref<128x128xf32, #tpu.memory_space<vmem>>
    tpu.wait_dma2 semaphore(%arg10 : memref<!tpu.dma_semaphore, #tpu.memory_space<semaphore_mem>>) src(%dma_wait3A_96 : memref<128x128xf32, #tpu.memory_space<vmem>>) dst(%dma_wait3A_92 : memref<128x128xf32, #tpu.memory_space<hbm>>)
    %add3A_97 = arith.constant 126 : i32
    %add3A_98 = arith.addi %mul3A_2, %add3A_97 : i32
    %mul3A_99 = arith.constant 128 : i32
    %mul3A_100 = arith.muli %add3A_98, %mul3A_99 : i32
    %dma_wait3A_101 = arith.constant 0 : i32
    %dma_wait3A_102 = arith.constant 0 : i32
    %dma_wait3A_103 = arith.constant 0 : i32
    %dma_wait3A_104 = tpu.memref_slice %arg7[%dma_wait3A_101, %dma_wait3A_102, %dma_wait3A_103] : memref<6x128x128xf32, #tpu.memory_space<vmem>> -> memref<1x128x128xf32, #tpu.memory_space<vmem>>
    %dma_wait3A_105 = tpu.memref_squeeze %dma_wait3A_104 : memref<1x128x128xf32, #tpu.memory_space<vmem>> -> memref<128x128xf32, #tpu.memory_space<vmem>>
    %dma_wait3A_106 = arith.constant 0 : i32
    %dma_wait3A_107 = tpu.memref_slice %arg4[%mul3A_100, %dma_wait3A_106] : memref<524288x128xf32, #tpu.memory_space<hbm>> -> memref<128x128xf32, #tpu.memory_space<hbm>>
    %dma_wait3A_108 = arith.constant 0 : i32
    %dma_wait3A_109 = tpu.memref_slice %arg4[%mul3A_100, %dma_wait3A_108] : memref<524288x128xf32, #tpu.memory_space<hbm>> -> memref<128x128xf32, #tpu.memory_space<hbm>>
    %dma_wait3A_110 = arith.constant 0 : i32
    %dma_wait3A_111 = arith.constant 0 : i32
    %dma_wait3A_112 = tpu.memref_slice %arg7[%dma_wait3A_101, %dma_wait3A_110, %dma_wait3A_111] : memref<6x128x128xf32, #tpu.memory_space<vmem>> -> memref<1x128x128xf32, #tpu.memory_space<vmem>>
    %dma_wait3A_113 = tpu.memref_squeeze %dma_wait3A_112 : memref<1x128x128xf32, #tpu.memory_space<vmem>> -> memref<128x128xf32, #tpu.memory_space<vmem>>
    tpu.wait_dma2 semaphore(%arg10 : memref<!tpu.dma_semaphore, #tpu.memory_space<semaphore_mem>>) src(%dma_wait3A_113 : memref<128x128xf32, #tpu.memory_space<vmem>>) dst(%dma_wait3A_109 : memref<128x128xf32, #tpu.memory_space<hbm>>)
    %add3A_114 = arith.constant 127 : i32
    %add3A_115 = arith.addi %mul3A_2, %add3A_114 : i32
    %mul3A_116 = arith.constant 128 : i32
    %mul3A_117 = arith.muli %add3A_115, %mul3A_116 : i32
    %dma_wait3A_118 = arith.constant 1 : i32
    %dma_wait3A_119 = arith.constant 0 : i32
    %dma_wait3A_120 = arith.constant 0 : i32
    %dma_wait3A_121 = tpu.memref_slice %arg7[%dma_wait3A_118, %dma_wait3A_119, %dma_wait3A_120] : memref<6x128x128xf32, #tpu.memory_space<vmem>> -> memref<1x128x128xf32, #tpu.memory_space<vmem>>
    %dma_wait3A_122 = tpu.memref_squeeze %dma_wait3A_121 : memref<1x128x128xf32, #tpu.memory_space<vmem>> -> memref<128x128xf32, #tpu.memory_space<vmem>>
    %dma_wait3A_123 = arith.constant 0 : i32
    %dma_wait3A_124 = tpu.memref_slice %arg4[%mul3A_117, %dma_wait3A_123] : memref<524288x128xf32, #tpu.memory_space<hbm>> -> memref<128x128xf32, #tpu.memory_space<hbm>>
    %dma_wait3A_125 = arith.constant 0 : i32
    %dma_wait3A_126 = tpu.memref_slice %arg4[%mul3A_117, %dma_wait3A_125] : memref<524288x128xf32, #tpu.memory_space<hbm>> -> memref<128x128xf32, #tpu.memory_space<hbm>>
    %dma_wait3A_127 = arith.constant 0 : i32
    %dma_wait3A_128 = arith.constant 0 : i32
    %dma_wait3A_129 = tpu.memref_slice %arg7[%dma_wait3A_118, %dma_wait3A_127, %dma_wait3A_128] : memref<6x128x128xf32, #tpu.memory_space<vmem>> -> memref<1x128x128xf32, #tpu.memory_space<vmem>>
    %dma_wait3A_130 = tpu.memref_squeeze %dma_wait3A_129 : memref<1x128x128xf32, #tpu.memory_space<vmem>> -> memref<128x128xf32, #tpu.memory_space<vmem>>
    tpu.wait_dma2 semaphore(%arg10 : memref<!tpu.dma_semaphore, #tpu.memory_space<semaphore_mem>>) src(%dma_wait3A_130 : memref<128x128xf32, #tpu.memory_space<vmem>>) dst(%dma_wait3A_126 : memref<128x128xf32, #tpu.memory_space<hbm>>)
    return
  }
}

</mosaic_0001>

<sc_bundles>
// kernel: _gather.3.cloned.1.call-start
scs
__scs_entry_jumppad:
0x0: {  	(pc) =	sbr.rel $0x88, $3  }
0x1: {  	(tag) =	ssettag $0x0;
	lr =	simm.s32 $0x1  }
0x2: {  	[smem:$0x3F9F] =	sst lr;
	_ =	strace $0xD0000000  }
0x3: {  	_ = 	snop  }
0x4: {  	_ = 	snop  }
0x5: {  	_ = 	snop  }
0x6: {  	_ = 	snop  }
0x7: {  	_ = 	snop  }
__scs_overlays_trampoline_lowered:
0x8: {  	[smem:$0x3FAE] =	sst s0  }
0x9: {  	[smem:$0x3FAF] =	sst s1  }
0xa: {  	[smem:$0x3FB0] =	sst s2  }
0xb: {  	[smem:$0x3FB1] =	sst s3  }
0xc: {  	[smem:$0x3FB2] =	sst s4  }
0xd: {  	[smem:$0x3FB3] =	sst s5  }
0xe: {  	[smem:$0x3FB4] =	sst s6  }
0xf: {  	[smem:$0x3FB5] =	sst s7  }
0x10: {  	[smem:$0x3FB6] =	sst s8  }
0x11: {  	[smem:$0x3FB7] =	sst s9;
	s0 =	simm.s32 @!p0 $0x0  }
0x12: {  	s1 =	sld [smem:$0x3F9D];
	s0 =	simm.s32 @p0 $0x1  }
0x13: {  	[smem:$0x3FB8] =	sst s0;
	s0 =	simm.s32 @!p1 $0x0  }
0x14: {  	s2 =	sld [smem:$0x3F9C];
	s0 =	simm.s32 @p1 $0x1  }
0x15: {  	[smem:$0x3FB9] =	sst s0;
	s0 =	simm.s32 @!p2 $0x0  }
0x16: {  	s3 =	sld [smem:$0x3FDB];
	s0 =	simm.s32 @p2 $0x1  }
0x17: {  	s4 =	simm.s32 $0x1BF5;
	[smem:$0x3FBB] =	sst s0  }
0x18: {  	s0 =	sld [smem:$0x3F9E];
	_ =	swait.ge [sflag:s4], $0x0  }
0x19: {  	s7 =	sld [smem:$0x3F9F]  }
0x1a: {  	s8 =	sadd.s32 $0xFFFFE003, lr  }
0x1b: {  	s9 =	sadd.s32 $0xFFFFFEF7, lr;
	s5 =	simm.s32 $0xFFFFFFFF;
	p2 =	slt.u32 s8, $0xFFFFF086  }
0x1c: {  	p1 =	slt.u32 s9, $0xF7A;
	s5 =	simm.s32 @!p2 $0x0  }
0x1d: {  	s5 =	simm.s32 @p1 $0x1;
	p0 =	seq.s32 s7, s2  }
0x1e: {  	s7 =	smul.u32 @!p0 $0xF7A, s2;
	p2 =	seq.s32 @!p0 s5, $0x0  }
0x1f: {  	s9 =	smul.u32 $0xF7A, s1;
	s8 =	simm.s32 @!p0 $0x1BF5;
	p2 =	por !p2, p0  }
0x20: {  	[sflag:s8] =	ssyncset.s32 @!p0 $0xFFFFF086;
	s6 =	sadd.s32 @!p0 s3, s7;
	s7 =	simm.s32 @!p0 $0x108  }
0x21: {  	s3 =	sadd.s32 s3, s9;
	s6 =	sadd.s32 @!p0 $0x88, s6;
	s7 =	simm.s32 @p2 $0x1082  }
0x22: {  	[simem:s7], [sflag:s8] =	dma.local @!p0 [hbm:s6], $0xF7A  }
0x23: {  	s9 =	sor.u32 $0xD0000000, s2;
	s6 =	simm.s32 $0x108;
	_ =	swait.ge @!p0 [sflag:s8], $0x0  }
0x24: {  	s3 =	sadd.s32 $0x88, s3;
	s6 =	simm.s32 @!p1 $0x1082;
	[sflag:s4] =	ssyncset.s32 $0xFFFFF086  }
0x25: {  	[simem:s6], [sflag:s4] =	dma.local [hbm:s3], $0xF7A  }
0x26: {  	[smem:$0x3F9F] =	sst s1;
	(tag) =	ssettag s2;
	_ =	strace s9  }
0x27: {  	s1 =	sld [smem:$0x3FAF]  }
0x28: {  	s2 =	sld [smem:$0x3FB0]  }
0x29: {  	s4 =	sld [smem:$0x3FB2]  }
0x2a: {  	p0 =	seq.s32 s5, $0x0;
	s5 =	sld [smem:$0x3FB3]  }
0x2b: {  	s6 =	sld [smem:$0x3FB4]  }
0x2c: {  	s7 =	sld [smem:$0x3FB5]  }
0x2d: {  	s3 =	simm.s32 $0x108;
	s8 =	sld [smem:$0x3FB6]  }
0x2e: {  	s3 =	simm.s32 @!p0 $0x1082;
	s9 =	sld [smem:$0x3FB7]  }
0x2f: {  	lr =	sadd.s32 s0, s3;
	s0 =	sld [smem:$0x3FAE]  }
0x30: {  	s3 =	sld [smem:$0x3FB1]  }
0x31: {  	[smem:$0x3FBA] =	sst s10  }
0x32: {  	s10 =	sld [smem:$0x3FB8];
	_ =	sdelay $0x3  }
0x33: {  	p0 =	seq.s32 s10, $0x1;
	s10 =	sld [smem:$0x3FBA];
	_ =	sdelay $0x3  }
0x34: {  	[smem:$0x3FBA] =	sst s10  }
0x35: {  	s10 =	sld [smem:$0x3FB9];
	_ =	sdelay $0x3  }
0x36: {  	p1 =	seq.s32 s10, $0x1;
	s10 =	sld [smem:$0x3FBA];
	_ =	sdelay $0x3  }
0x37: {  	[smem:$0x3FBA] =	sst s10  }
0x38: {  	s10 =	sld [smem:$0x3FBB]  }
0x39: {  	_ = 	snop;
	(pc) =	sbr.ind lr, $3  }
0x3a: {  	_ = 	snop  }
0x3b: {  	_ = 	snop  }
0x3c: {  	p2 =	seq.s32 s10, $0x1;
	s10 =	sld [smem:$0x3FBA]  }
0x3d: {  	_ =	shalt  }
0x3e: {  	_ =	shalt  }
0x3f: {  	_ =	shalt  }
0x40: {  	_ =	shalt  }
0x41: {  	_ =	shalt  }
0x42: {  	_ =	shalt  }
0x43: {  	_ =	shalt  }
0x44: {  	_ =	shalt  }
0x45: {  	_ =	shalt  }
0x46: {  	_ =	shalt  }
0x47: {  	_ =	shalt  }
0x48: {  	_ =	shalt  }
0x49: {  	_ =	shalt  }
0x4a: {  	_ =	shalt  }
0x4b: {  	_ =	shalt  }
0x4c: {  	_ =	shalt  }
0x4d: {  	_ =	shalt  }
0x4e: {  	_ =	shalt  }
0x4f: {  	_ =	shalt  }
0x50: {  	_ =	shalt  }
0x51: {  	_ =	shalt  }
0x52: {  	_ =	shalt  }
0x53: {  	_ =	shalt  }
0x54: {  	_ =	shalt  }
0x55: {  	_ =	shalt  }
0x56: {  	_ =	shalt  }
0x57: {  	_ =	shalt  }
0x58: {  	_ =	shalt  }
0x59: {  	_ =	shalt  }
0x5a: {  	_ =	shalt  }
0x5b: {  	_ =	shalt  }
0x5c: {  	_ =	shalt  }
0x5d: {  	_ =	shalt  }
0x5e: {  	_ =	shalt  }
0x5f: {  	_ =	shalt  }
0x60: {  	_ =	shalt  }
0x61: {  	_ =	shalt  }
0x62: {  	_ =	shalt  }
0x63: {  	_ =	shalt  }
0x64: {  	_ =	shalt  }
0x65: {  	_ =	shalt  }
0x66: {  	_ =	shalt  }
0x67: {  	_ =	shalt  }
0x68: {  	_ =	shalt  }
0x69: {  	_ =	shalt  }
0x6a: {  	_ =	shalt  }
0x6b: {  	_ =	shalt  }
0x6c: {  	_ =	shalt  }
0x6d: {  	_ =	shalt  }
0x6e: {  	_ =	shalt  }
0x6f: {  	_ =	shalt  }
0x70: {  	_ =	shalt  }
0x71: {  	_ =	shalt  }
0x72: {  	_ =	shalt  }
0x73: {  	_ =	shalt  }
0x74: {  	_ =	shalt  }
0x75: {  	_ =	shalt  }
0x76: {  	_ =	shalt  }
0x77: {  	_ =	shalt  }
0x78: {  	_ =	shalt  }
0x79: {  	_ =	shalt  }
0x7a: {  	_ =	shalt  }
0x7b: {  	_ =	shalt  }
0x7c: {  	_ =	shalt  }
0x7d: {  	_ =	shalt  }
0x7e: {  	_ =	shalt  }
0x7f: {  	_ =	shalt  }
0x80: {  	_ =	shalt  }
0x81: {  	_ =	shalt  }
0x82: {  	_ =	shalt  }
0x83: {  	_ =	shalt  }
0x84: {  	_ =	shalt  }
0x85: {  	_ =	shalt  }
0x86: {  	_ =	shalt  }
0x87: {  	_ =	shalt  }
.Lfunc_end0:
.L_simem_size_0:
called_computation_lowered:
.L_overlay_start_0:
0x88: {  	s2 =	sld [smem:$0x3FD9]  }
0x89: {  	s3 =	sld [smem:$0x3FFE];
	_ =	sdelay $0x1  }
0x8a: {  	s1 =	srdreg.scid  }
0x8b: {  	s0 =	sand.u32 $0x1, s1  }
0x8c: {  	s18 =	sshll.u32 s0, $0xA;
	s2 =	sadd.s32 s3, s2  }
0x8d: {  	s2 =	sadd.s32 s2, s18  }
0x8e: {  	[smem:$0x3FC6] =	sst s2  }
0x8f: {  	_ = 	snop  }
0x90: {  	s2 =	sld [smem:$0x3FC9]  }
0x91: {  	s19 =	sld [smem:$0x3FC8]  }
0x92: {  	s4 =	sld [smem:$0x3FD0];
	(tm) =	ssettm $0x1  }
0x93: {  	s5 =	sld [smem:$0x3FFB];
	_ =	sdelay $0x3  }
0x94: {  	_ =	strace s5  }
0x95: {  	s5 =	sld [smem:$0x3FFC];
	_ =	sdelay $0x3  }
0x96: {  	_ =	strace s5  }
0x97: {  	s5 =	sld [smem:$0x3FFD];
	_ =	sdelay $0x3  }
0x98: {  	_ =	strace s5  }
0x99: {  	_ =	strace $0x8FFFFFFF  }
0x9a: {  	s20 =	sld [smem:$0x3FDB];
	_ =	sdelay $0x1  }
0x9b: {  	s6 =	simm.s32 $_scs_section_size  }
0x9c: {  	s7 =	simm.s32 $_size__tile_overlayer_lowered;
	s8 =	simm.s32 $_tile_overlayer_lowered  }
0x9d: {  	s23 =	simm.s32 $0x1BFF;
	s22 =	sshll.u32 s8, $0x1;
	s5 =	sadd.s32 s6, s20  }
0x9e: {  	s9 =	simm.s32 $0x0;
	s21 =	sshll.u32 s7, $0x1;
	s7 =	sadd.s32 s22, s5  }
0x9f: {  	[timem:s9], [sflag:s23] =	dma.local [hbm:s7], s21  }
0xa0: {  	_ =	swait.ge [sflag:s23], s21  }
0xa1: {  	s6 =	ssub.s32 $0x0, s21;
	[sflag:s23] =	ssyncset.done $0x0  }
0xa2: {  	[sflag:s23] =	ssyncadd.s32 s6;
	_ =	sdelay $0x1  }
0xa3: {  	s24 =	simm.s32 $0x1B8B  }
0xa4: {  	_ =	swait.ge [sflag:s24], $0x1  }
0xa5: {  	[sflag:s24] =	ssyncset.done $0x0  }
0xa6: {  	s25 =	simm.s32 $0x1B8E;
	[sflag:s24] =	ssyncadd.s32 $0xFFFFFFFF  }
0xa7: {  	s26 =	simm.s32 $execute0_lowered;
	[smem:$0x3FD2] =	sst s25  }
0xa8: {  	s6 =	sshll.u32 s26, $0x1;
	_ =	strace $0x80000046;
	[dreg:$0x1] =	wrdreg $0xFFFFFFFF  }
0xa9: {  	s28 =	simm.s32 $_size_execute0_lowered;
	s5 =	sadd.s32 s5, s6;
	[dreg:$0x0] =	wrdreg $0x0  }
0xaa: {  	s6 =	sshll.u32 s28, $0x1;
	[dreg:$0x2] =	wrdreg s5  }
0xab: {  	[dreg:$0x3] =	wrdreg s6  }
0xac: {  	[dreg:$0x4] =	wrdreg $0xC0  }
0xad: {  	_ =	task [dreg:s9], $0x5FFFF  }
0xae: {  	[dreg:$0x1] =	wrdreg $0xFFFFFFFF  }
0xaf: {  	[dreg:$0x0] =	wrdreg $0x60  }
0xb0: {  	[dreg:$0x2] =	wrdreg s2  }
0xb1: {  	[dreg:$0x3] =	wrdreg s19  }
0xb2: {  	[dreg:$0x4] =	wrdreg s4  }
0xb3: {  	[dreg:$0x5] =	wrdreg $0x40000  }
0xb4: {  	[dreg:$0x6] =	wrdreg $0x9  }
0xb5: {  	_ =	task.clear_ibuf [dreg:s9], $0x7FFFF;
	_ =	strace $0x90000046  }
0xb6: {  	s29 =	simm.s32 $0x9;
	_ =	strace $0x80000048  }
0xb7: {  	_ =	swait.ge [sflag:s29], $0x1  }
0xb8: {  	[sflag:s29] =	ssyncadd.s32 $0xFFFFFFFF  }
0xb9: {  	_ =	strace $0x90000048  }
0xba: {  	_ =	sfence  }
0xbb: {  	s30 =	sld [smem:$0x0];
	_ =	sdelay $0x2  }
0xbc: {  	s31 =	sshll.u32 s1, $0xD;
	s1 =	sshrl.u32 s1, $0x2  }
0xbd: {  	s3 =	sand.u32 $0x4000, s31;
	s1 =	sadd.s32 s1, s30  }
0xbe: {  	s0 =	sor.u32 s3, s0;
	s1 =	sshll.u32 s1, $0x11  }
0xbf: {  	s0 =	sor.u32 s1, s0  }
0xc0: {  	s0 =	sadd.s32 $0x8F2B, s0  }
0xc1: {  	[sflag:s0] =	ssyncadd.remote.s32 $0x1  }
0xc2: {  	_ =	sfence.sel $0xFFFF  }
0xc3: {  	[dreg:$0x0] =	wrdreg $0xFFFFFFFF;
	(pc) =	sbr.abs _section_cstart, $3  }
0xc4: {  	[dreg:$0x1] =	wrdreg $0xFFFFFFFF  }
0xc5: {  	_ =	task.clear_ibuf [dreg:s9], $0x2FFFF;
	_ =	strace $0x9FFFFFFF  }
0xc6: {  	(tm) =	ssettm $0x7FFFFFFF  }
0xc7: {  	_ =	shalt  }
tec
execute0_lowered:
.L_overlay_start_1:
0x0: {  	(tag) =	ssettag $0x1  }
0x1: {  	s4 =	rddreg [dreg:$0x0]  }
0x2: {  	s1 =	rddreg [dreg:$0x1]  }
0x3: {  	s5 =	rddreg [dreg:$0x2]  }
0x4: {  	s2 =	rddreg [dreg:$0x3]  }
0x5: {  	s0 =	rddreg [dreg:$0x4];
	s3 =	simm.s32 $0x0;
	s6 =	srdreg.scid  }
0x6: {  	s7 =	stileid.u32;
	s12 =	simm.s32 $0x100;
	s13 =	simm.s32 $0xC400  }
0x7: {  	s14 =	simm.s32 $0x1;
	s15 =	simm.s32 $0x2;
	s16 =	simm.s32 $0x0  }
0x8: {  	[smem:$0x7FF] =	sst s3;
	s6 =	sand.u32 $0x1, s6;
	s9 =	sshll.u32 s7, $0xC  }
0x9: {  	s31 =	sshll.u32 s7, $0x13;
	p0 =	sne.s32 s7, $0x0;
	s8 =	ssub.s32 $0x2, s6  }
0xa: {  	s10 =	sshll.u32 s6, $0xB;
	_ =	strace $0x80000047;
	s6 =	sshll.u32 s6, $0x12  }
0xb: {  	s7 =	sshrl.u32 @!p0 s2, $0x3;
	s11 =	sshrl.u32 s8, $0x1;
	s9 =	sor.u32 s10, s9  }
0xc: {  	s10 =	simm.s32 $0x4400;
	s8 =	ssub.s32 s8, s11;
	s4 =	sadd.s32 s4, s9  }
0xd: {  	s9 =	sadd.s32 s31, s5;
	s11 =	simm.s32 $0x8400;
	s5 =	smax.u32 s8, $0x1  }
0xe: {  	s6 =	sadd.s32 s6, s9;
	s8 =	simm.s32 $0x3;
	s9 =	simm.s32 $0x80  }
.LBB2_1:
0xf: {  	s17 =	simm.s32 @!p0 $0x1C03  }
0x10: {  	[spmem:s7], [sflag:s17] =	dma.local @!p0 [hbm:s1], $0x800  }
0x11: {  	s17 =	simm.s32 @!p0 $0x3  }
0x12: {  	_ =	swait.ge @!p0 [sflag:s17], $0x800  }
0x13: {  	[sflag:s17] =	ssyncset.done @!p0 $0x0  }
0x14: {  	v0 =	vimm.f32 @!p0 $0.0e+00;
	[sflag:s17] =	ssyncadd.s32 @!p0 $0xFFFFF800  }
0x15: {  	[tilespmem:$0x1C400] =	vst @!p0 v0  }
0x16: {  	[tilespmem:$0x1C410] =	vst @!p0 v0  }
0x17: {  	[tilespmem:$0x1C420] =	vst @!p0 v0  }
0x18: {  	[tilespmem:$0x1C430] =	vst @!p0 v0  }
0x19: {  	[tilespmem:$0x1C440] =	vst @!p0 v0  }
0x1a: {  	[tilespmem:$0x1C450] =	vst @!p0 v0  }
0x1b: {  	[tilespmem:$0x1C460] =	vst @!p0 v0  }
0x1c: {  	s18 =	simm.s32 @!p0 $0x1C400;
	[tilespmem:$0x1C470] =	vst @!p0 v0  }
0x1d: {  	[spmem:s2] =	stream.linear.scatter @!p0 [tilespmem:s18], [sflag:$0x3], $0x80, $0x38;
	[tilespmem:$0x1C480] =	vst v63  }
0x1e: {  	_ =	swait.ge @!p0 [sflag:s17], $0x80  }
0x1f: {  	[sflag:s17] =	ssyncset.done @!p0 $0x0  }
0x20: {  	[sflag:s17] =	ssyncadd.s32 @!p0 $0xFFFFFF80  }
0x21: {  	[tilespmem:s3], [sflag:$0x3] =	stream.linear.gather [hbm4b:s4+s3], $0x4000, $0x38;
	[tilespmem:$0x1C480] =	vst v63  }
0x22: {  	s30 =	smul.u32 $0xAB, s3;
	s21 =	simm.s32 $0x3;
	_ =	swait.ge [sflag:s8], $0x4000  }
0x23: {  	s20 =	simm.s32 $0x2;
	s22 =	smul.u32 $0xAB, s21;
	[sflag:s8] =	ssyncset.done $0x0  }
0x24: {  	p1 =	por $0x1, $0x1;
	s18 =	sshrl.u32 s30, $0xA;
	[sflag:s8] =	ssyncadd.s32 $0xFFFFC000  }
0x25: {  	s22 =	sshrl.u32 s22, $0xA;
	s18 =	sand.u32 $0x3F, s18;
	[bflag:$0x0] =	sbarrier.arrive $0xFFFF  }
0x26: {  	[tilespmem:s10], [sflag:$0x1] =	stream.indirect.gather [spmem:s2], $0x80, s3, s9, $0xb8;
	[tilespmem:$0x1C480] =	vst v63  }
0x27: {  	s24 =	smin.u32 s21, $0x7F;
	s22 =	sand.u32 $0x3F, s22;
	s18 =	smul.u32 $0x6, s18  }
0x28: {  	[tilespmem:s11], [sflag:$0x1] =	stream.indirect.gather [spmem:s2], $0x80, s9, s9, $0xb8;
	[tilespmem:$0x1C480] =	vst v63  }
0x29: {  	s21 =	simm.s32 @!p1 $0x2;
	s22 =	smul.u32 $0x6, s22;
	s18 =	ssub.s32 $0x0, s18  }
0x2a: {  	[tilespmem:s13], [sflag:$0x1] =	stream.indirect.gather [spmem:s2], $0x80, s12, s9, $0xb8;
	[tilespmem:$0x1C480] =	vst v63  }
0x2b: {  	s31 =	ssub.s32 $0x3, s22;
	s18 =	sand.u32 $0xFF, s18;
	_ =	swait.ge [sflag:s14], $0x4000  }
0x2c: {  	s22 =	sand.u32 $0xFF, s31;
	s18 =	sshll.u32 s18, $0xE;
	[sflag:s14] =	ssyncset.done $0x0  }
0x2d: {  	s17 =	simm.s32 $0x1;
	s18 =	sadd.s32 $0x4400, s18;
	[sflag:s14] =	ssyncadd.s32 $0xFFFFC000  }
0x2e: {  	[hbm4b:s6+s3] =	stream.linear.scatter [tilespmem:s18], [sflag:$0x2], $0x4000, $0x38;
	[tilespmem:$0x1C480] =	vst v63  }
0x2f: {  	s23 =	sshll.u32 s22, $0xE;
	s22 =	sshll.u32 s24, $0x7;
	_ =	swait.ge @!p1 [sflag:s21], $0x4000  }
0x30: {  	s19 =	smul.u32 $0xAB, s17;
	s18 =	sadd.s32 $0x800, s6;
	[sflag:s21] =	ssyncset.done @!p1 $0x0  }
.LBB2_2:
0x31: {  	s24 =	smul.u32 $0xAB, s20;
	s23 =	sadd.s32 $0x4400, s23  }
0x32: {  	s25 =	smov.u32 s20;
	s20 =	sadd.s32 $0x1, s20;
	s19 =	sshrl.u32 s19, $0xA  }
0x33: {  	p2 =	sne.s32 s20, $0x80;
	[sflag:s21] =	ssyncadd.s32 @!p1 $0xFFFFC000;
	s21 =	sand.u32 $0x3F, s19  }
0x34: {  	[tilespmem:s23], [sflag:$0x1] =	stream.indirect.gather [spmem:s2], $0x80, s22, s9, $0xb8;
	[tilespmem:$0x1C480] =	vst v63  }
0x35: {  	s22 =	sadd.s32 $0x3, s17;
	s19 =	smov.u32 s24;
	s21 =	smul.u32 $0x6, s21  }
0x36: {  	s24 =	smin.u32 s22, $0x7F;
	s23 =	smul.u32 $0xAB, s22  }
0x37: {  	p1 =	slt.u32 s17, $0x3  }
0x38: {  	s21 =	ssub.s32 s17, s21;
	s17 =	smov.u32 s25;
	s23 =	sshrl.u32 s23, $0xA  }
0x39: {  	s21 =	sand.u32 $0xFF, s21;
	s23 =	sand.u32 $0x3F, s23;
	_ =	swait.ge [sflag:s14], $0x4000  }
0x3a: {  	s21 =	sshll.u32 s21, $0xE;
	s23 =	smul.u32 $0x6, s23;
	[sflag:s14] =	ssyncset.done $0x0  }
.Ltmp0:
0x3b: {  	s21 =	sadd.s32 $0x4400, s21;
	[sflag:s14] =	ssyncadd.s32 $0xFFFFC000;
	(pc) =	sbr.rel @p2 .LBB2_2-.Ltmp0, $4  }
0x3c: {  	[hbm4b:s18+s3] =	stream.linear.scatter [tilespmem:s21], [sflag:$0x2], $0x4000, $0x38;
	[tilespmem:$0x1C480] =	vst v63  }
0x3d: {  	s22 =	ssub.s32 s22, s23;
	s21 =	simm.s32 @!p1 $0x2  }
0x3e: {  	s22 =	sand.u32 $0xFF, s22;
	s18 =	sadd.s32 $0x800, s18;
	_ =	swait.ge @!p1 [sflag:s21], $0x4000  }
0x3f: {  	s23 =	sshll.u32 s22, $0xE;
	s22 =	sshll.u32 s24, $0x7;
	[sflag:s21] =	ssyncset.done @!p1 $0x0  }
0x40: {  	s20 =	sadd.s32 $0x4400, s23;
	s19 =	sshrl.u32 s19, $0xA;
	[sflag:s21] =	ssyncadd.s32 @!p1 $0xFFFFC000  }
0x41: {  	[tilespmem:s20], [sflag:$0x1] =	stream.indirect.gather [spmem:s2], $0x80, s22, s9, $0xb8;
	[tilespmem:$0x1C480] =	vst v63  }
0x42: {  	s19 =	sand.u32 $0x3F, s19  }
0x43: {  	s25 =	sadd.s32 $0x3, s17;
	s19 =	smul.u32 $0x6, s19  }
0x44: {  	s26 =	smul.u32 $0xAB, s25  }
0x45: {  	p1 =	slt.u32 s17, $0x3;
	s19 =	ssub.s32 s17, s19  }
0x46: {  	_ =	swait.ge [sflag:s14], $0x4000;
	s29 =	sshrl.u32 s26, $0xA;
	s28 =	sand.u32 $0xFF, s19  }
0x47: {  	[sflag:s14] =	ssyncset.done $0x0;
	s19 =	sand.u32 $0x3F, s29;
	s17 =	sshll.u32 s28, $0xE  }
0x48: {  	[sflag:s14] =	ssyncadd.s32 $0xFFFFC000;
	s19 =	smul.u32 $0x6, s19;
	s17 =	sadd.s32 $0x4400, s17  }
0x49: {  	[hbm4b:s18+s3] =	stream.linear.scatter [tilespmem:s17], [sflag:$0x2], $0x4000, $0x38;
	[tilespmem:$0x1C480] =	vst v63  }
0x4a: {  	s17 =	simm.s32 @!p1 $0x2;
	s30 =	ssub.s32 s25, s19  }
0x4b: {  	_ =	swait.ge @!p1 [sflag:s17], $0x4000;
	s18 =	sand.u32 $0xFF, s30  }
0x4c: {  	s31 =	smin.u32 s25, $0x7F;
	[sflag:s17] =	ssyncset.done @!p1 $0x0;
	s18 =	sshll.u32 s18, $0xE  }
0x4d: {  	s19 =	sshll.u32 s31, $0x7;
	s18 =	sadd.s32 $0x4400, s18;
	[sflag:s17] =	ssyncadd.s32 @!p1 $0xFFFFC000  }
0x4e: {  	[tilespmem:s18], [sflag:$0x1] =	stream.indirect.gather [spmem:s2], $0x80, s19, s9, $0xb8;
	[tilespmem:$0x1C480] =	vst v63  }
0x4f: {  	_ =	swait.ge [sflag:s14], $0x4000  }
0x50: {  	[sflag:s14] =	ssyncset.done $0x0  }
0x51: {  	[sflag:s14] =	ssyncadd.s32 $0xFFFFC000  }
0x52: {  	_ =	swait.ge [sflag:s14], $0x4000  }
0x53: {  	[sflag:s14] =	ssyncset.done $0x0  }
0x54: {  	[sflag:s14] =	ssyncadd.s32 $0xFFFFC000  }
0x55: {  	_ =	swait.ge [sflag:s14], $0x4000  }
0x56: {  	[sflag:s14] =	ssyncset.done $0x0  }
0x57: {  	[sflag:s14] =	ssyncadd.s32 $0xFFFFC000  }
0x58: {  	_ =	swait.ge [sflag:s15], $0x4000  }
0x59: {  	[sflag:s15] =	ssyncset.done $0x0  }
0x5a: {  	s16 =	sadd.s32 $0x1, s16;
	[sflag:s15] =	ssyncadd.s32 $0xFFFFC000  }
0x5b: {  	p1 =	sne.s32 s16, s5;
	_ =	swait.ge [sflag:s15], $0x4000  }
.Ltmp1:
0x5c: {  	[sflag:s15] =	ssyncset.done $0x0;
	(pc) =	sbr.rel @p1 .LBB2_1-.Ltmp1, $4  }
0x5d: {  	[sflag:s15] =	ssyncadd.s32 $0xFFFFC000  }
0x5e: {  	_ =	swait.ge [sflag:s15], $0x4000  }
0x5f: {  	[sflag:s15] =	ssyncset.done $0x0  }
0x60: {  	[sflag:s15] =	ssyncadd.s32 $0xFFFFC000  }
0x61: {  	_ =	sfence.sel $0x180000  }
0x62: {  	[bflag:$0x0] =	sbarrier.arrive $0xFFFF  }
0x63: {  	_ =	strace $0x90000047  }
0x64: {  	s0 =	sadd.s32 @!p0 $0x100000, s0;
	[bflag:$0x2] =	sbarrier.arrive $0xFFFF  }
0x65: {  	[sflag:s0] =	ssyncadd.tile.s32 @!p0 $0x1;
	_ =	shalt  }
.Lfunc_end2:
_tile_overlayer_lowered:
.L_overlay_start_2:
0x66: {  	(tag) =	ssettag $0x2  }
0x67: {  	s0 =	rddreg [dreg:$0x0];
	s2 =	stileid.u32  }
0x68: {  	s1 =	rddreg [dreg:$0x1];
	p0 =	sne.s32 s2, $0x0  }
0x69: {  	s3 =	rddreg [dreg:$0x2];
	[bflag:$0x3] =	sbarrier.arrive $0xFFFF;
	s2 =	simm.s32 @!p0 $0x1C03  }
0x6a: {  	[timem:s3], [sflag:s2] =	dma.local @!p0 [hbm:s0], s1  }
0x6b: {  	s0 =	simm.s32 @!p0 $0x3  }
0x6c: {  	_ =	swait.ge @!p0 [sflag:s0], s1  }
0x6d: {  	s1 =	ssub.s32 @!p0 $0x0, s1;
	[sflag:s0] =	ssyncset.done @!p0 $0x0  }
0x6e: {  	[sflag:s0] =	ssyncadd.s32 @!p0 s1  }
0x6f: {  	[bflag:$0x3] =	sbarrier.arrive $0xFFFF  }
0x70: {  	_ =	shalt  }

</sc_bundles>
